<compile_context>
chip_gen: v7x
topology: tpu7x:2x2x1
jax: 0.10.2.dev20260603
libtpu: 0.0.44.dev20260713+nightly
codegen_flags: <defaults>
</compile_context>

<pallas_src>
import functools

import jax
import jax.numpy as jnp
from jax import lax
from jax.experimental import pallas as pl
from jax.experimental.pallas import tpu as pltpu
from jax.experimental.pallas import tpu_sc as plsc

NUM_ITEMS = 2048
NUM_POSITIONS = 4

_NC = 1
_NS = 16
_NW = _NC * _NS
_L = 16


def _router_body(
    seq, chunk, in_hbm, pos_hbm, beh_hbm, ids_v, pos_v, beh_v, in_sem, out_sem
):
    wid = lax.axis_index("s") * _NC + lax.axis_index("c")
    chunks_per_row = seq // chunk
    row = wid // chunks_per_row
    col = (wid % chunks_per_row) * chunk

    lane = lax.iota(jnp.int32, _L)
    ones = jnp.full((_L,), 1, jnp.int32)
    in_cp = pltpu.make_async_copy(in_hbm.at[row, pl.ds(0, _L)], ids_v, in_sem)
    in_cp.start()

    pos = lane % NUM_POSITIONS + 1

    def fill_pos(j, _):
        pos_v[pl.ds(j * _L, _L)] = pos
        return _

    lax.fori_loop(0, chunk // _L, fill_pos, None)
    pos_cp = pltpu.make_async_copy(pos_v, pos_hbm.at[row, pl.ds(col, chunk)], out_sem)
    pos_cp.start()
    in_cp.wait()

    dnums = lax.GatherDimensionNumbers(
        offset_dims=(), collapsed_slice_dims=(0,), start_index_map=(0,)
    )
    b = lax.gather(
        ids_v[...],
        ones[:, None],
        dnums,
        slice_sizes=(1,),
        mode=lax.GatherScatterMode.PROMISE_IN_BOUNDS,
    )
    b = jnp.where((b - 1).astype(jnp.uint32) > jnp.uint32(3), ones, b)

    def fill_beh(j, _):
        beh_v[pl.ds(j * _L, _L)] = b
        return _

    lax.fori_loop(1, chunk // _L, fill_beh, None)
    row_start_key = lane | lax.broadcast(wid % chunks_per_row, (_L,))
    beh_v[pl.ds(0, _L)] = jnp.where(row_start_key == 0, jnp.zeros((_L,), jnp.int32), b)

    beh_cp = pltpu.make_async_copy(beh_v, beh_hbm.at[row, pl.ds(col, chunk)], out_sem)
    beh_cp.start()
    pos_cp.wait()
    beh_cp.wait()


def kernel(input_id_sequence):
    batch, seq = input_id_sequence.shape
    total = batch * seq
    chunk = total // _NW

    mesh = plsc.VectorSubcoreMesh(
        core_axis_name="c", subcore_axis_name="s", num_cores=_NC, num_subcores=_NS
    )
    out2d = jax.ShapeDtypeStruct((batch, seq), jnp.int32)
    k = pl.kernel(
        functools.partial(_router_body, seq, chunk),
        out_type=(out2d, out2d),
        mesh=mesh,
        scratch_types=[
            pltpu.VMEM((_L,), jnp.int32),
            pltpu.VMEM((chunk,), jnp.int32),
            pltpu.VMEM((chunk,), jnp.int32),
            pltpu.SemaphoreType.DMA,
            pltpu.SemaphoreType.DMA,
        ],
    )
    return k(input_id_sequence)

# --- scband reference (transcript-rebuilt; emitter-appended) ---
"""Pipeline reference for scband-pbadecoder-router-39608188404282 (READ-ONLY COPY).

The authoritative reference and input builder live on the scoring server;
editing this copy changes nothing except your own understanding.
"""

import jax, jax.numpy as jnp
import numpy as np

NUM_ITEMS = 2048
NUM_POSITIONS = 4
BATCH = 4
SEQ = 4096


def setup_inputs(seed: int = 0) -> dict:
    key = jax.random.key(seed)
    input_id_sequence = jax.random.randint(key, (BATCH, SEQ), 0, 5, dtype=jnp.int32)
    return {"input_id_sequence": input_id_sequence}


def reference(input_id_sequence):
    batch_size, seq_length = input_id_sequence.shape
    # pre_generated_position_index: (arange(num_positions)+1) repeated num_items times, then a trailing 0
    pre = jnp.concatenate([
        jnp.tile(jnp.arange(NUM_POSITIONS, dtype=jnp.int32) + 1, NUM_ITEMS),
        jnp.zeros((1,), dtype=jnp.int32),
    ])
    position_index = jnp.tile(pre[:seq_length][None, :], (batch_size, 1))

    # eval-mode behavior-id sanitization (module assumed in eval mode)
    behavior_ids = input_id_sequence[:, 1]
    out_of_range = (behavior_ids < 1) | (behavior_ids > 4)
    behavior_ids = jnp.where(out_of_range, jnp.int32(1), behavior_ids)

    zeros_col = jnp.zeros((batch_size, 1), dtype=jnp.int32)
    rest = jnp.repeat(behavior_ids[:, None], seq_length - 1, axis=1)
    behavior_indices = jnp.concatenate([zeros_col, rest], axis=1)
    return (position_index, behavior_indices)

if __name__ == "__main__":
    import jax
    _d = setup_inputs()
    print(jax.jit(kernel)(*tuple(_d.values())))

</pallas_src>

<mosaic_0001>
#map = affine_map<(d0, d1) -> (0, 0)>
module attributes {stable_mosaic.version = 14 : i64} {
  func.func @_router_body(%arg0: i32, %arg1: i32, %arg2: memref<4x4096xi32, #tpu.memory_space<hbm>>, %arg3: memref<4x4096xi32, #tpu.memory_space<hbm>>, %arg4: memref<4x4096xi32, #tpu.memory_space<hbm>>, %arg5: memref<16xi32, #tpu.memory_space<vmem>>, %arg6: memref<1024xi32, #tpu.memory_space<vmem>>, %arg7: memref<1024xi32, #tpu.memory_space<vmem>>, %arg8: memref<!tpu.dma_semaphore, #tpu.memory_space<semaphore_mem>>, %arg9: memref<!tpu.dma_semaphore, #tpu.memory_space<semaphore_mem>>) attributes {dimension_semantics = [#tpu.dimension_semantics<core_parallel>, #tpu.dimension_semantics<subcore_parallel>], iteration_bounds = array<i64: 1, 16>, scalar_prefetch = 0 : i64, scratch_operands = 5 : i64, tpu.core_type = #tpu.core_type<sc_vector_subcore>, window_params = [{transform_indices = #map}, {transform_indices = #map}, {transform_indices = #map}]} {
    %mul3A = arith.constant 1 : i32
    %mul3A_0 = arith.muli %arg1, %mul3A : i32
    %add3A = arith.addi %mul3A_0, %arg0 : i32
    %jit3A = arith.constant 4 : i32
    %div3A = arith.divsi %add3A, %jit3A : i32
    %sign3A = arith.constant 0 : i32
    %sign3A_1 = arith.cmpi sgt, %add3A, %sign3A : i32
    %sign3A_2 = arith.extui %sign3A_1 : i1 to i32
    %sign3A_3 = arith.constant 0 : i32
    %sign3A_4 = arith.cmpi slt, %add3A, %sign3A_3 : i32
    %sign3A_5 = arith.extui %sign3A_4 : i1 to i32
    %sign3A_6 = arith.subi %sign3A_2, %sign3A_5 : i32
    %sign3A_7 = arith.constant 0 : i32
    %sign3A_8 = arith.cmpi sgt, %jit3A, %sign3A_7 : i32
    %sign3A_9 = arith.extui %sign3A_8 : i1 to i32
    %sign3A_10 = arith.constant 0 : i32
    %sign3A_11 = arith.cmpi slt, %jit3A, %sign3A_10 : i32
    %sign3A_12 = arith.extui %sign3A_11 : i1 to i32
    %sign3A_13 = arith.subi %sign3A_9, %sign3A_12 : i32
    %ne3A = arith.cmpi ne, %sign3A_6, %sign3A_13 : i32
    %rem3A = arith.remsi %add3A, %jit3A : i32
    %ne3A_14 = arith.constant 0 : i32
    %ne3A_15 = arith.cmpi ne, %rem3A, %ne3A_14 : i32
    %and3A = arith.andi %ne3A, %ne3A_15 : i1
    %sub3A = arith.constant 1 : i32
    %sub3A_16 = arith.subi %div3A, %sub3A : i32
    %select_n3A = arith.select %and3A, %sub3A_16, %div3A : i32
    %jit3A_17 = arith.constant 4 : i32
    %eq3A = arith.constant 0 : i32
    %eq3A_18 = arith.cmpi eq, %jit3A_17, %eq3A : i32
    %jit3A_19 = arith.constant 1 : i32
    %select_n3A_20 = arith.select %eq3A_18, %jit3A_19, %jit3A_17 : i32
    %rem3A_21 = arith.remsi %add3A, %select_n3A_20 : i32
    %ne3A_22 = arith.constant 0 : i32
    %ne3A_23 = arith.cmpi ne, %rem3A_21, %ne3A_22 : i32
    %lt3A = arith.constant 0 : i32
    %lt3A_24 = arith.cmpi slt, %rem3A_21, %lt3A : i32
    %lt3A_25 = arith.constant 0 : i32
    %lt3A_26 = arith.cmpi slt, %select_n3A_20, %lt3A_25 : i32
    %ne3A_27 = arith.xori %lt3A_24, %lt3A_26 : i1
    %and3A_28 = arith.andi %ne3A_27, %ne3A_23 : i1
    %add3A_29 = arith.addi %rem3A_21, %select_n3A_20 : i32
    %select_n3A_30 = arith.select %and3A_28, %add3A_29, %rem3A_21 : i32
    %mul3A_31 = arith.constant 1024 : i32
    %mul3A_32 = arith.muli %select_n3A_30, %mul3A_31 : i32
    %iota3A = tpu.iota {dimensions = array<i32: 0>} : vector<16xi32>
    %broadcast_in_dim3A = arith.constant 1 : i32
    %broadcast_in_dim3A_33 = vector.broadcast %broadcast_in_dim3A : i32 to vector<16xi32>
    %dma_start3A = arith.constant 0 : i32
    %dma_start3A_34 = tpu.memref_slice %arg2[%select_n3A, %dma_start3A] : memref<4x4096xi32, #tpu.memory_space<hbm>> -> memref<1x16xi32, #tpu.memory_space<hbm>>
    %dma_start3A_35 = tpu.memref_squeeze %dma_start3A_34 : memref<1x16xi32, #tpu.memory_space<hbm>> -> memref<16xi32, #tpu.memory_space<hbm>>
    %dma_start3A_36 = arith.constant 0 : i32
    %dma_start3A_37 = tpu.memref_slice %arg2[%select_n3A, %dma_start3A_36] : memref<4x4096xi32, #tpu.memory_space<hbm>> -> memref<1x16xi32, #tpu.memory_space<hbm>>
    %dma_start3A_38 = tpu.memref_squeeze %dma_start3A_37 : memref<1x16xi32, #tpu.memory_space<hbm>> -> memref<16xi32, #tpu.memory_space<hbm>>
    tpu.enqueue_dma source(%dma_start3A_38 : memref<16xi32, #tpu.memory_space<hbm>>) target(%arg5 : memref<16xi32, #tpu.memory_space<vmem>>) target_semaphore(%arg8 : memref<!tpu.dma_semaphore, #tpu.memory_space<semaphore_mem>>)
    %jit3A_39 = arith.constant 4 : i32
    %eq3A_40 = arith.constant 0 : i32
    %eq3A_41 = arith.cmpi eq, %jit3A_39, %eq3A_40 : i32
    %jit3A_42 = arith.constant 1 : i32
    %select_n3A_43 = arith.select %eq3A_41, %jit3A_42, %jit3A_39 : i32
    %rem3A_44 = vector.broadcast %select_n3A_43 : i32 to vector<16xi32>
    %rem3A_45 = arith.remsi %iota3A, %rem3A_44 : vector<16xi32>
    %ne3A_46 = arith.constant 0 : i32
    %ne3A_47 = vector.broadcast %ne3A_46 : i32 to vector<16xi32>
    %ne3A_48 = arith.cmpi ne, %rem3A_45, %ne3A_47 : vector<16xi32>
    %lt3A_49 = arith.constant 0 : i32
    %lt3A_50 = vector.broadcast %lt3A_49 : i32 to vector<16xi32>
    %lt3A_51 = arith.cmpi slt, %rem3A_45, %lt3A_50 : vector<16xi32>
    %lt3A_52 = arith.constant 0 : i32
    %lt3A_53 = arith.cmpi slt, %select_n3A_43, %lt3A_52 : i32
    %ne3A_54 = vector.broadcast %lt3A_53 : i1 to vector<16xi1>
    %ne3A_55 = vector.broadcast %ne3A_54 : vector<16xi1> to vector<16xi1>
    %ne3A_56 = arith.xori %lt3A_51, %ne3A_55 : vector<16xi1>
    %and3A_57 = arith.andi %ne3A_56, %ne3A_48 : vector<16xi1>
    %add3A_58 = vector.broadcast %select_n3A_43 : i32 to vector<16xi32>
    %add3A_59 = arith.addi %rem3A_45, %add3A_58 : vector<16xi32>
    %select_n3A_60 = arith.select %and3A_57, %add3A_59, %rem3A_45 : vector<16xi1>, vector<16xi32>
    %add3A_61 = arith.constant 1 : i32
    %add3A_62 = vector.broadcast %add3A_61 : i32 to vector<16xi32>
    %add3A_63 = arith.addi %select_n3A_60, %add3A_62 : vector<16xi32>
    %scan3A = arith.constant 0 : i32
    %scan3A_64 = arith.constant 64 : i32
    %scan3A_65 = arith.addi %scan3A, %scan3A_64 : i32
    %scan3A_66 = arith.constant 1 : i32
    scf.for %scan3A_130 = %scan3A to %scan3A_65 step %scan3A_66  : i32 {
      %mul3A_131 = arith.constant 16 : i32
      %mul3A_132 = arith.muli %scan3A_130, %mul3A_131 : i32
      %swap3A_133 = arith.index_cast %mul3A_132 : i32 to index
      %swap3A_134 = tpu.vector_load %arg6[%swap3A_133] {strides = array<i32>} : memref<1024xi32, #tpu.memory_space<vmem>>, vector<16xi32>,
      %swap3A_135 = vector.shape_cast %swap3A_134 : vector<16xi32> to vector<16xi32>
      %swap3A_136 = vector.shape_cast %add3A_63 : vector<16xi32> to vector<16xi32>
      tpu.vector_store %arg6[%swap3A_133], %swap3A_136 {strides = array<i32>} : memref<1024xi32, #tpu.memory_space<vmem>>, vector<16xi32>,
    }
    %scan3A_67 = arith.constant 64 : i32
    %dma_start3A_68 = tpu.memref_slice %arg3[%select_n3A, %mul3A_32] : memref<4x4096xi32, #tpu.memory_space<hbm>> -> memref<1x1024xi32, #tpu.memory_space<hbm>>
    %dma_start3A_69 = tpu.memref_squeeze %dma_start3A_68 : memref<1x1024xi32, #tpu.memory_space<hbm>> -> memref<1024xi32, #tpu.memory_space<hbm>>
    %dma_start3A_70 = tpu.memref_slice %arg3[%select_n3A, %mul3A_32] : memref<4x4096xi32, #tpu.memory_space<hbm>> -> memref<1x1024xi32, #tpu.memory_space<hbm>>
    %dma_start3A_71 = tpu.memref_squeeze %dma_start3A_70 : memref<1x1024xi32, #tpu.memory_space<hbm>> -> memref<1024xi32, #tpu.memory_space<hbm>>
    tpu.enqueue_dma source(%arg6 : memref<1024xi32, #tpu.memory_space<vmem>>) target(%dma_start3A_71 : memref<1024xi32, #tpu.memory_space<hbm>>) target_semaphore(%arg9 : memref<!tpu.dma_semaphore, #tpu.memory_space<semaphore_mem>>)
    %dma_wait3A = arith.constant 0 : i32
    %dma_wait3A_72 = tpu.memref_slice %arg2[%select_n3A, %dma_wait3A] : memref<4x4096xi32, #tpu.memory_space<hbm>> -> memref<1x16xi32, #tpu.memory_space<hbm>>
    %dma_wait3A_73 = tpu.memref_squeeze %dma_wait3A_72 : memref<1x16xi32, #tpu.memory_space<hbm>> -> memref<16xi32, #tpu.memory_space<hbm>>
    %dma_wait3A_74 = arith.constant 0 : i32
    %dma_wait3A_75 = tpu.memref_slice %arg2[%select_n3A, %dma_wait3A_74] : memref<4x4096xi32, #tpu.memory_space<hbm>> -> memref<1x16xi32, #tpu.memory_space<hbm>>
    %dma_wait3A_76 = tpu.memref_squeeze %dma_wait3A_75 : memref<1x16xi32, #tpu.memory_space<hbm>> -> memref<16xi32, #tpu.memory_space<hbm>>
    tpu.wait_dma2 semaphore(%arg8 : memref<!tpu.dma_semaphore, #tpu.memory_space<semaphore_mem>>) src(%dma_wait3A_76 : memref<16xi32, #tpu.memory_space<hbm>>) dst(%arg5 : memref<16xi32, #tpu.memory_space<vmem>>)
    %get3A = arith.constant 0 : index
    %get3A_77 = tpu.vector_load %arg5[%get3A] {strides = array<i32>} : memref<16xi32, #tpu.memory_space<vmem>>, vector<16xi32>,
    %get3A_78 = vector.shape_cast %get3A_77 : vector<16xi32> to vector<16xi32>
    %broadcast_in_dim3A_79 = vector.shape_cast %broadcast_in_dim3A_33 : vector<16xi32> to vector<16x1xi32>
    %gather3A = vector.shape_cast %broadcast_in_dim3A_79 : vector<16x1xi32> to vector<16xi32>
    %gather3A_80 = tpu.dynamic_gather %get3A_78[%gather3A] in [0] : vector<16xi32>, vector<16xi32> -> vector<16xi32>
    %sub3A_81 = arith.constant 1 : i32
    %sub3A_82 = vector.broadcast %sub3A_81 : i32 to vector<16xi32>
    %sub3A_83 = arith.subi %gather3A_80, %sub3A_82 : vector<16xi32>
    %gt3A = arith.constant 3 : i32
    %gt3A_84 = vector.broadcast %gt3A : i32 to vector<16xi32>
    %gt3A_85 = arith.cmpi ugt, %sub3A_83, %gt3A_84 : vector<16xi32>
    %select_n3A_86 = arith.select %gt3A_85, %broadcast_in_dim3A_33, %gather3A_80 : vector<16xi1>, vector<16xi32>
    %scan3A_87 = arith.constant 1 : i32
    %scan3A_88 = arith.constant 63 : i32
    %scan3A_89 = arith.addi %scan3A_87, %scan3A_88 : i32
    %scan3A_90 = arith.constant 1 : i32
    scf.for %scan3A_130 = %scan3A_87 to %scan3A_89 step %scan3A_90  : i32 {
      %mul3A_131 = arith.constant 16 : i32
      %mul3A_132 = arith.muli %scan3A_130, %mul3A_131 : i32
      %swap3A_133 = arith.index_cast %mul3A_132 : i32 to index
      %swap3A_134 = tpu.vector_load %arg7[%swap3A_133] {strides = array<i32>} : memref<1024xi32, #tpu.memory_space<vmem>>, vector<16xi32>,
      %swap3A_135 = vector.shape_cast %swap3A_134 : vector<16xi32> to vector<16xi32>
      %swap3A_136 = vector.shape_cast %select_n3A_86 : vector<16xi32> to vector<16xi32>
      tpu.vector_store %arg7[%swap3A_133], %swap3A_136 {strides = array<i32>} : memref<1024xi32, #tpu.memory_space<vmem>>, vector<16xi32>,
    }
    %scan3A_91 = arith.constant 63 : i32
    %jit3A_92 = arith.constant 4 : i32
    %eq3A_93 = arith.constant 0 : i32
    %eq3A_94 = arith.cmpi eq, %jit3A_92, %eq3A_93 : i32
    %jit3A_95 = arith.constant 1 : i32
    %select_n3A_96 = arith.select %eq3A_94, %jit3A_95, %jit3A_92 : i32
    %rem3A_97 = arith.remsi %add3A, %select_n3A_96 : i32
    %ne3A_98 = arith.constant 0 : i32
    %ne3A_99 = arith.cmpi ne, %rem3A_97, %ne3A_98 : i32
    %lt3A_100 = arith.constant 0 : i32
    %lt3A_101 = arith.cmpi slt, %rem3A_97, %lt3A_100 : i32
    %lt3A_102 = arith.constant 0 : i32
    %lt3A_103 = arith.cmpi slt, %select_n3A_96, %lt3A_102 : i32
    %ne3A_104 = arith.xori %lt3A_101, %lt3A_103 : i1
    %and3A_105 = arith.andi %ne3A_104, %ne3A_99 : i1
    %add3A_106 = arith.addi %rem3A_97, %select_n3A_96 : i32
    %select_n3A_107 = arith.select %and3A_105, %add3A_106, %rem3A_97 : i32
    %broadcast_in_dim3A_108 = vector.broadcast %select_n3A_107 : i32 to vector<16xi32>
    %or3A = arith.ori %iota3A, %broadcast_in_dim3A_108 : vector<16xi32>
    %eq3A_109 = arith.constant 0 : i32
    %eq3A_110 = vector.broadcast %eq3A_109 : i32 to vector<16xi32>
    %eq3A_111 = arith.cmpi eq, %or3A, %eq3A_110 : vector<16xi32>
    %broadcast_in_dim3A_112 = arith.constant 0 : i32
    %broadcast_in_dim3A_113 = vector.broadcast %broadcast_in_dim3A_112 : i32 to vector<16xi32>
    %select_n3A_114 = arith.select %eq3A_111, %broadcast_in_dim3A_113, %select_n3A_86 : vector<16xi1>, vector<16xi32>
    %swap3A = arith.constant 0 : index
    %swap3A_115 = tpu.vector_load %arg7[%swap3A] {strides = array<i32>} : memref<1024xi32, #tpu.memory_space<vmem>>, vector<16xi32>,
    %swap3A_116 = vector.shape_cast %swap3A_115 : vector<16xi32> to vector<16xi32>
    %swap3A_117 = vector.shape_cast %select_n3A_114 : vector<16xi32> to vector<16xi32>
    tpu.vector_store %arg7[%swap3A], %swap3A_117 {strides = array<i32>} : memref<1024xi32, #tpu.memory_space<vmem>>, vector<16xi32>,
    %dma_start3A_118 = tpu.memref_slice %arg4[%select_n3A, %mul3A_32] : memref<4x4096xi32, #tpu.memory_space<hbm>> -> memref<1x1024xi32, #tpu.memory_space<hbm>>
    %dma_start3A_119 = tpu.memref_squeeze %dma_start3A_118 : memref<1x1024xi32, #tpu.memory_space<hbm>> -> memref<1024xi32, #tpu.memory_space<hbm>>
    %dma_start3A_120 = tpu.memref_slice %arg4[%select_n3A, %mul3A_32] : memref<4x4096xi32, #tpu.memory_space<hbm>> -> memref<1x1024xi32, #tpu.memory_space<hbm>>
    %dma_start3A_121 = tpu.memref_squeeze %dma_start3A_120 : memref<1x1024xi32, #tpu.memory_space<hbm>> -> memref<1024xi32, #tpu.memory_space<hbm>>
    tpu.enqueue_dma source(%arg7 : memref<1024xi32, #tpu.memory_space<vmem>>) target(%dma_start3A_121 : memref<1024xi32, #tpu.memory_space<hbm>>) target_semaphore(%arg9 : memref<!tpu.dma_semaphore, #tpu.memory_space<semaphore_mem>>)
    %dma_wait3A_122 = tpu.memref_slice %arg3[%select_n3A, %mul3A_32] : memref<4x4096xi32, #tpu.memory_space<hbm>> -> memref<1x1024xi32, #tpu.memory_space<hbm>>
    %dma_wait3A_123 = tpu.memref_squeeze %dma_wait3A_122 : memref<1x1024xi32, #tpu.memory_space<hbm>> -> memref<1024xi32, #tpu.memory_space<hbm>>
    %dma_wait3A_124 = tpu.memref_slice %arg3[%select_n3A, %mul3A_32] : memref<4x4096xi32, #tpu.memory_space<hbm>> -> memref<1x1024xi32, #tpu.memory_space<hbm>>
    %dma_wait3A_125 = tpu.memref_squeeze %dma_wait3A_124 : memref<1x1024xi32, #tpu.memory_space<hbm>> -> memref<1024xi32, #tpu.memory_space<hbm>>
    tpu.wait_dma2 semaphore(%arg9 : memref<!tpu.dma_semaphore, #tpu.memory_space<semaphore_mem>>) src(%arg6 : memref<1024xi32, #tpu.memory_space<vmem>>) dst(%dma_wait3A_125 : memref<1024xi32, #tpu.memory_space<hbm>>)
    %dma_wait3A_126 = tpu.memref_slice %arg4[%select_n3A, %mul3A_32] : memref<4x4096xi32, #tpu.memory_space<hbm>> -> memref<1x1024xi32, #tpu.memory_space<hbm>>
    %dma_wait3A_127 = tpu.memref_squeeze %dma_wait3A_126 : memref<1x1024xi32, #tpu.memory_space<hbm>> -> memref<1024xi32, #tpu.memory_space<hbm>>
    %dma_wait3A_128 = tpu.memref_slice %arg4[%select_n3A, %mul3A_32] : memref<4x4096xi32, #tpu.memory_space<hbm>> -> memref<1x1024xi32, #tpu.memory_space<hbm>>
    %dma_wait3A_129 = tpu.memref_squeeze %dma_wait3A_128 : memref<1x1024xi32, #tpu.memory_space<hbm>> -> memref<1024xi32, #tpu.memory_space<hbm>>
    tpu.wait_dma2 semaphore(%arg9 : memref<!tpu.dma_semaphore, #tpu.memory_space<semaphore_mem>>) src(%arg7 : memref<1024xi32, #tpu.memory_space<vmem>>) dst(%dma_wait3A_129 : memref<1024xi32, #tpu.memory_space<hbm>>)
    return
  }
}

</mosaic_0001>

<sc_bundles>
// kernel: kernel.3.cloned.1.call-start
scs
__scs_entry_jumppad:
0x0: {  	(pc) =	sbr.rel $0x88, $3  }
0x1: {  	(tag) =	ssettag $0x0;
	lr =	simm.s32 $0x1  }
0x2: {  	[smem:$0x3FA0] =	sst lr;
	_ =	strace $0xD0000000  }
0x3: {  	_ = 	snop  }
0x4: {  	_ = 	snop  }
0x5: {  	_ = 	snop  }
0x6: {  	_ = 	snop  }
0x7: {  	_ = 	snop  }
__scs_overlays_trampoline_lowered:
0x8: {  	[smem:$0x3FAF] =	sst s0  }
0x9: {  	[smem:$0x3FB0] =	sst s1  }
0xa: {  	[smem:$0x3FB1] =	sst s2  }
0xb: {  	[smem:$0x3FB2] =	sst s3  }
0xc: {  	[smem:$0x3FB3] =	sst s4  }
0xd: {  	[smem:$0x3FB4] =	sst s5  }
0xe: {  	[smem:$0x3FB5] =	sst s6  }
0xf: {  	[smem:$0x3FB6] =	sst s7  }
0x10: {  	[smem:$0x3FB7] =	sst s8  }
0x11: {  	[smem:$0x3FB8] =	sst s9;
	s0 =	simm.s32 @!p0 $0x0  }
0x12: {  	s1 =	sld [smem:$0x3F9E];
	s0 =	simm.s32 @p0 $0x1  }
0x13: {  	[smem:$0x3FB9] =	sst s0;
	s0 =	simm.s32 @!p1 $0x0  }
0x14: {  	s2 =	sld [smem:$0x3F9D];
	s0 =	simm.s32 @p1 $0x1  }
0x15: {  	[smem:$0x3FBA] =	sst s0;
	s0 =	simm.s32 @!p2 $0x0  }
0x16: {  	s3 =	sld [smem:$0x3FDB];
	s0 =	simm.s32 @p2 $0x1  }
0x17: {  	s4 =	simm.s32 $0x1BF5;
	[smem:$0x3FBC] =	sst s0  }
0x18: {  	s0 =	sld [smem:$0x3F9F];
	_ =	swait.ge [sflag:s4], $0x0  }
0x19: {  	s7 =	sld [smem:$0x3FA0]  }
0x1a: {  	s8 =	sadd.s32 $0xFFFFE003, lr  }
0x1b: {  	s9 =	sadd.s32 $0xFFFFFEF7, lr;
	s5 =	simm.s32 $0xFFFFFFFF;
	p2 =	slt.u32 s8, $0xFFFFF086  }
0x1c: {  	p1 =	slt.u32 s9, $0xF7A;
	s5 =	simm.s32 @!p2 $0x0  }
0x1d: {  	s5 =	simm.s32 @p1 $0x1;
	p0 =	seq.s32 s7, s2  }
0x1e: {  	s7 =	smul.u32 @!p0 $0xF7A, s2;
	p2 =	seq.s32 @!p0 s5, $0x0  }
0x1f: {  	s9 =	smul.u32 $0xF7A, s1;
	s8 =	simm.s32 @!p0 $0x1BF5;
	p2 =	por !p2, p0  }
0x20: {  	[sflag:s8] =	ssyncset.s32 @!p0 $0xFFFFF086;
	s6 =	sadd.s32 @!p0 s3, s7;
	s7 =	simm.s32 @!p0 $0x108  }
0x21: {  	s3 =	sadd.s32 s3, s9;
	s6 =	sadd.s32 @!p0 $0x88, s6;
	s7 =	simm.s32 @p2 $0x1082  }
0x22: {  	[simem:s7], [sflag:s8] =	dma.local @!p0 [hbm:s6], $0xF7A  }
0x23: {  	s9 =	sor.u32 $0xD0000000, s2;
	s6 =	simm.s32 $0x108;
	_ =	swait.ge @!p0 [sflag:s8], $0x0  }
0x24: {  	s3 =	sadd.s32 $0x88, s3;
	s6 =	simm.s32 @!p1 $0x1082;
	[sflag:s4] =	ssyncset.s32 $0xFFFFF086  }
0x25: {  	[simem:s6], [sflag:s4] =	dma.local [hbm:s3], $0xF7A  }
0x26: {  	[smem:$0x3FA0] =	sst s1;
	(tag) =	ssettag s2;
	_ =	strace s9  }
0x27: {  	s1 =	sld [smem:$0x3FB0]  }
0x28: {  	s2 =	sld [smem:$0x3FB1]  }
0x29: {  	s4 =	sld [smem:$0x3FB3]  }
0x2a: {  	p0 =	seq.s32 s5, $0x0;
	s5 =	sld [smem:$0x3FB4]  }
0x2b: {  	s6 =	sld [smem:$0x3FB5]  }
0x2c: {  	s7 =	sld [smem:$0x3FB6]  }
0x2d: {  	s3 =	simm.s32 $0x108;
	s8 =	sld [smem:$0x3FB7]  }
0x2e: {  	s3 =	simm.s32 @!p0 $0x1082;
	s9 =	sld [smem:$0x3FB8]  }
0x2f: {  	lr =	sadd.s32 s0, s3;
	s0 =	sld [smem:$0x3FAF]  }
0x30: {  	s3 =	sld [smem:$0x3FB2]  }
0x31: {  	[smem:$0x3FBB] =	sst s10  }
0x32: {  	s10 =	sld [smem:$0x3FB9];
	_ =	sdelay $0x3  }
0x33: {  	p0 =	seq.s32 s10, $0x1;
	s10 =	sld [smem:$0x3FBB];
	_ =	sdelay $0x3  }
0x34: {  	[smem:$0x3FBB] =	sst s10  }
0x35: {  	s10 =	sld [smem:$0x3FBA];
	_ =	sdelay $0x3  }
0x36: {  	p1 =	seq.s32 s10, $0x1;
	s10 =	sld [smem:$0x3FBB];
	_ =	sdelay $0x3  }
0x37: {  	[smem:$0x3FBB] =	sst s10  }
0x38: {  	s10 =	sld [smem:$0x3FBC]  }
0x39: {  	_ = 	snop;
	(pc) =	sbr.ind lr, $3  }
0x3a: {  	_ = 	snop  }
0x3b: {  	_ = 	snop  }
0x3c: {  	p2 =	seq.s32 s10, $0x1;
	s10 =	sld [smem:$0x3FBB]  }
0x3d: {  	_ =	shalt  }
0x3e: {  	_ =	shalt  }
0x3f: {  	_ =	shalt  }
0x40: {  	_ =	shalt  }
0x41: {  	_ =	shalt  }
0x42: {  	_ =	shalt  }
0x43: {  	_ =	shalt  }
0x44: {  	_ =	shalt  }
0x45: {  	_ =	shalt  }
0x46: {  	_ =	shalt  }
0x47: {  	_ =	shalt  }
0x48: {  	_ =	shalt  }
0x49: {  	_ =	shalt  }
0x4a: {  	_ =	shalt  }
0x4b: {  	_ =	shalt  }
0x4c: {  	_ =	shalt  }
0x4d: {  	_ =	shalt  }
0x4e: {  	_ =	shalt  }
0x4f: {  	_ =	shalt  }
0x50: {  	_ =	shalt  }
0x51: {  	_ =	shalt  }
0x52: {  	_ =	shalt  }
0x53: {  	_ =	shalt  }
0x54: {  	_ =	shalt  }
0x55: {  	_ =	shalt  }
0x56: {  	_ =	shalt  }
0x57: {  	_ =	shalt  }
0x58: {  	_ =	shalt  }
0x59: {  	_ =	shalt  }
0x5a: {  	_ =	shalt  }
0x5b: {  	_ =	shalt  }
0x5c: {  	_ =	shalt  }
0x5d: {  	_ =	shalt  }
0x5e: {  	_ =	shalt  }
0x5f: {  	_ =	shalt  }
0x60: {  	_ =	shalt  }
0x61: {  	_ =	shalt  }
0x62: {  	_ =	shalt  }
0x63: {  	_ =	shalt  }
0x64: {  	_ =	shalt  }
0x65: {  	_ =	shalt  }
0x66: {  	_ =	shalt  }
0x67: {  	_ =	shalt  }
0x68: {  	_ =	shalt  }
0x69: {  	_ =	shalt  }
0x6a: {  	_ =	shalt  }
0x6b: {  	_ =	shalt  }
0x6c: {  	_ =	shalt  }
0x6d: {  	_ =	shalt  }
0x6e: {  	_ =	shalt  }
0x6f: {  	_ =	shalt  }
0x70: {  	_ =	shalt  }
0x71: {  	_ =	shalt  }
0x72: {  	_ =	shalt  }
0x73: {  	_ =	shalt  }
0x74: {  	_ =	shalt  }
0x75: {  	_ =	shalt  }
0x76: {  	_ =	shalt  }
0x77: {  	_ =	shalt  }
0x78: {  	_ =	shalt  }
0x79: {  	_ =	shalt  }
0x7a: {  	_ =	shalt  }
0x7b: {  	_ =	shalt  }
0x7c: {  	_ =	shalt  }
0x7d: {  	_ =	shalt  }
0x7e: {  	_ =	shalt  }
0x7f: {  	_ =	shalt  }
0x80: {  	_ =	shalt  }
0x81: {  	_ =	shalt  }
0x82: {  	_ =	shalt  }
0x83: {  	_ =	shalt  }
0x84: {  	_ =	shalt  }
0x85: {  	_ =	shalt  }
0x86: {  	_ =	shalt  }
0x87: {  	_ =	shalt  }
.Lfunc_end0:
.L_simem_size_0:
called_computation_lowered:
.L_overlay_start_0:
0x88: {  	s0 =	sld [smem:$0x3FD9]  }
0x89: {  	s1 =	sld [smem:$0x3FFE];
	_ =	sdelay $0x3  }
0x8a: {  	s0 =	sadd.s32 s1, s0  }
0x8b: {  	[smem:$0x3FC7] =	sst s0  }
0x8c: {  	_ = 	snop  }
0x8d: {  	s0 =	sld [smem:$0x3FD0];
	_ =	sdelay $0x2  }
0x8e: {  	s2 =	simm.s32 $0xA;
	s3 =	simm.s32 $0x10;
	s14 =	sld [smem:$0x3FC9]  }
0x8f: {  	[smem:s3], [sflag:s2] =	dma.local [hbm:s0], $0x1  }
0x90: {  	_ =	swait.eq [sflag:s2], $0x1  }
0x91: {  	[sflag:s2] =	ssyncset.done $0x0  }
0x92: {  	s15 =	sld [smem:$0x10];
	[sflag:s2] =	ssyncadd.s32 $0xFFFFFFFF  }
0x93: {  	s16 =	sld [smem:$0x11];
	(tm) =	ssettm $0x1  }
0x94: {  	s17 =	sld [smem:$0x3FFB];
	_ =	sdelay $0x3  }
0x95: {  	_ =	strace s17  }
0x96: {  	s3 =	sld [smem:$0x3FFC];
	_ =	sdelay $0x3  }
0x97: {  	_ =	strace s3  }
0x98: {  	s3 =	sld [smem:$0x3FFD];
	_ =	sdelay $0x3  }
0x99: {  	_ =	strace s3  }
0x9a: {  	_ =	strace $0x8FFFFFFF  }
0x9b: {  	s18 =	sld [smem:$0x3FDB];
	_ =	sdelay $0x1  }
0x9c: {  	s4 =	simm.s32 $_scs_section_size  }
0x9d: {  	s5 =	simm.s32 $_size__tile_overlayer_lowered;
	s6 =	simm.s32 $_tile_overlayer_lowered  }
0x9e: {  	s21 =	simm.s32 $0x1BFF;
	s20 =	sshll.u32 s6, $0x1;
	s3 =	sadd.s32 s4, s18  }
0x9f: {  	s7 =	simm.s32 $0x0;
	s19 =	sshll.u32 s5, $0x1;
	s5 =	sadd.s32 s20, s3  }
0xa0: {  	[timem:s7], [sflag:s21] =	dma.local [hbm:s5], s19  }
0xa1: {  	_ =	swait.ge [sflag:s21], s19  }
0xa2: {  	s4 =	ssub.s32 $0x0, s19;
	[sflag:s21] =	ssyncset.done $0x0  }
0xa3: {  	[sflag:s21] =	ssyncadd.s32 s4;
	_ =	sdelay $0x1  }
0xa4: {  	s22 =	simm.s32 $0x1B8B  }
0xa5: {  	_ =	swait.ge [sflag:s22], $0x1  }
0xa6: {  	[sflag:s22] =	ssyncset.done $0x0  }
0xa7: {  	s23 =	simm.s32 $0x1B8E;
	[sflag:s22] =	ssyncadd.s32 $0xFFFFFFFF  }
0xa8: {  	s24 =	simm.s32 $execute0_lowered;
	[smem:$0x3FD2] =	sst s23  }
0xa9: {  	s4 =	sshll.u32 s24, $0x1;
	_ =	strace $0x80000046;
	[dreg:$0x1] =	wrdreg $0xFFFFFFFF  }
0xaa: {  	s25 =	simm.s32 $_size_execute0_lowered;
	s3 =	sadd.s32 s3, s4;
	[dreg:$0x0] =	wrdreg $0x0  }
0xab: {  	s4 =	sshll.u32 s25, $0x1;
	[dreg:$0x2] =	wrdreg s3  }
0xac: {  	[dreg:$0x3] =	wrdreg s4  }
0xad: {  	[dreg:$0x4] =	wrdreg $0xC0  }
0xae: {  	_ =	task [dreg:s7], $0x5FFFF  }
0xaf: {  	[dreg:$0x1] =	wrdreg $0xFFFFFFFF  }
0xb0: {  	[dreg:$0x0] =	wrdreg $0x60  }
0xb1: {  	[dreg:$0x2] =	wrdreg s14  }
0xb2: {  	[dreg:$0x3] =	wrdreg s15  }
0xb3: {  	[dreg:$0x4] =	wrdreg s16  }
0xb4: {  	[dreg:$0x5] =	wrdreg $0x9  }
0xb5: {  	_ =	task.clear_ibuf [dreg:s7], $0x6FFFF;
	_ =	strace $0x90000046  }
0xb6: {  	s26 =	simm.s32 $0x9;
	_ =	strace $0x80000048  }
0xb7: {  	_ =	swait.ge [sflag:s26], $0x1  }
0xb8: {  	[sflag:s26] =	ssyncadd.s32 $0xFFFFFFFF  }
0xb9: {  	_ =	strace $0x90000048  }
0xba: {  	_ =	sfence  }
0xbb: {  	s28 =	sld [smem:$0x0];
	_ =	sdelay $0x1  }
0xbc: {  	s29 =	srdreg.scid  }
0xbd: {  	s30 =	sshll.u32 s29, $0xD;
	s31 =	sshrl.u32 s29, $0x2  }
0xbe: {  	s1 =	sand.u32 $0x1, s29;
	s2 =	sand.u32 $0x4000, s30;
	s0 =	sadd.s32 s31, s28  }
0xbf: {  	s1 =	sor.u32 s2, s1;
	s0 =	sshll.u32 s0, $0x11  }
0xc0: {  	s0 =	sor.u32 s0, s1  }
0xc1: {  	s0 =	sadd.s32 $0x8F2B, s0  }
0xc2: {  	[sflag:s0] =	ssyncadd.remote.s32 $0x1  }
0xc3: {  	_ =	sfence.sel $0xFFFF  }
0xc4: {  	[dreg:$0x0] =	wrdreg $0xFFFFFFFF;
	(pc) =	sbr.abs _section_cstart, $3  }
0xc5: {  	[dreg:$0x1] =	wrdreg $0xFFFFFFFF  }
0xc6: {  	_ =	task.clear_ibuf [dreg:s7], $0x2FFFF;
	_ =	strace $0x9FFFFFFF  }
0xc7: {  	(tm) =	ssettm $0x7FFFFFFF  }
tec
execute0_lowered:
.L_overlay_start_1:
0x0: {  	(tag) =	ssettag $0x1  }
0x1: {  	s4 =	rddreg [dreg:$0x0]  }
0x2: {  	s5 =	rddreg [dreg:$0x1]  }
0x3: {  	s2 =	rddreg [dreg:$0x2];
	s1 =	stileid.u32  }
0x4: {  	s0 =	rddreg [dreg:$0x3];
	s6 =	sshll.u32 s1, $0x5  }
0x5: {  	s7 =	simm.s32 $0x0;
	s3 =	sand.u32 $0x3, s1;
	s6 =	sand.u32 $0x180, s6  }
0x6: {  	[smem:$0x7FF] =	sst s7;
	s9 =	sshll.u32 s3, $0xC;
	s8 =	sshrl.u32 s6, $0x3  }
0x7: {  	_ =	strace $0x80000047;
	s6 =	sor.u32 s9, s6;
	s4 =	sadd.s32 s4, s8  }
0x8: {  	v0 =	vlaneseq.u32;
	[tilespmem:s7], [sflag:$0x1] =	stream.linear.gather [hbm4b:s4+s7], $0x10, $0x38;
	[tilespmem:$0x880] =	vst v63  }
0x9: {  	v0 =	vand.u32 $0x3, v0;
	s4 =	sshrl.u32 s6, $0x3  }
0xa: {  	v0 =	vadd.s32 $0x1, v0;
	s6 =	simm.s32 $0x40;
	s7 =	simm.s32 $0x0;
	s5 =	sadd.s32 s5, s4  }
.LBB2_1:
0xb: {  	p0 =	sne.s32 s6, $0xFC0;
	[tilespmem:s7+$0x80] =	vst v0;
	s7 =	smov.u32 s6;
	s6 =	sadd.s32 $0x40, s6  }
.Ltmp0:
0xc: {  	(pc) =	sbr.rel @p0 .LBB2_1-.Ltmp0, $2  }
0xd: {  	_ =	sdelay $0x2  }
0xe: {  	s7 =	sshra.s32 s7, $0x2  }
0xf: {  	[tilespmem:s7+$0x80] =	vst v0;
	s6 =	simm.s32 $0x200;
	s30 =	simm.s32 $0x80;
	s31 =	simm.s32 $0x1  }
0x10: {  	[hbm4b:s5+s30] =	stream.strided.scatter [tilespmem:s30], [sflag:$0x2], $0x400, s6, s30, $0x38;
	[tilespmem:$0x880] =	vst v63  }
0x11: {  	_ =	swait.ge [sflag:s31], $0x10  }
0x12: {  	[sflag:s31] =	ssyncset.done $0x0  }
0x13: {  	[sflag:s31] =	ssyncadd.s32 $0xFFFFFFF0  }
0x14: {  	v0 =	vld [tilespmem:$0x0];
	_ =	sdelay $0x3  }
0x15: {  	v1 =	vimm.s32 $0x1  }
0x16: {  	v0 =	vperm.xlane v0, v1;
	_ =	sdelay $0x1  }
0x17: {  	v1 =	vadd.s32 $0xFFFFFFFB, v0  }
0x18: {  	vm0 =	vlt.u32 v1, $0xFFFFFFFC  }
0x19: {  	s5 =	simm.s32 $0x80;
	s6 =	simm.s32 $0x10;
	v0 =	vsel vm0, $0x1, v0  }
.LBB2_3:
0x1a: {  	p0 =	sne.s32 s5, $0xFC0;
	[tilespmem:s6+$0x480] =	vst v0;
	s6 =	smov.u32 s5;
	s5 =	sadd.s32 $0x40, s5  }
.Ltmp1:
0x1b: {  	(pc) =	sbr.rel @p0 .LBB2_3-.Ltmp1, $2  }
0x1c: {  	_ =	sdelay $0x2  }
0x1d: {  	s6 =	sshra.s32 s6, $0x2  }
0x1e: {  	v1 =	vlaneseq.u32  }
0x1f: {  	v1 =	vor.u32 s3, v1  }
0x20: {  	vm0 =	veq.s32 v1, $0x0  }
0x21: {  	[tilespmem:s6+$0x480] =	vst v0;
	s2 =	sadd.s32 s2, s4;
	s29 =	simm.s32 $0x80;
	v63 =	vsel vm0, $0x0, v0  }
0x22: {  	s30 =	simm.s32 $0x200;
	s5 =	simm.s32 $0x480;
	s31 =	simm.s32 $0x2;
	[tilespmem:$0x480] =	vst v63  }
0x23: {  	[hbm4b:s2+s29] =	stream.strided.scatter [tilespmem:s5], [sflag:$0x2], $0x400, s30, s29, $0x38;
	[tilespmem:$0x880] =	vst v63  }
0x24: {  	_ =	swait.ge [sflag:s31], $0x400  }
0x25: {  	[sflag:s31] =	ssyncset.done $0x0  }
0x26: {  	[sflag:s31] =	ssyncadd.s32 $0xFFFFFC00  }
0x27: {  	_ =	swait.ge [sflag:s31], $0x400  }
0x28: {  	[sflag:s31] =	ssyncset.done $0x0  }
0x29: {  	[sflag:s31] =	ssyncadd.s32 $0xFFFFFC00  }
0x2a: {  	_ =	sfence.sel $0x180000  }
0x2b: {  	[bflag:$0x0] =	sbarrier.arrive $0xFFFF  }
0x2c: {  	p0 =	sne.s32 s1, $0x0;
	_ =	strace $0x90000047  }
0x2d: {  	s0 =	sadd.s32 @!p0 $0x100000, s0;
	[bflag:$0x2] =	sbarrier.arrive $0xFFFF  }
0x2e: {  	[sflag:s0] =	ssyncadd.tile.s32 @!p0 $0x1;
	_ =	shalt  }
.Lfunc_end2:
_tile_overlayer_lowered:
.L_overlay_start_2:
0x2f: {  	(tag) =	ssettag $0x2  }
0x30: {  	s0 =	rddreg [dreg:$0x0];
	s2 =	stileid.u32  }
0x31: {  	s1 =	rddreg [dreg:$0x1];
	p0 =	sne.s32 s2, $0x0  }
0x32: {  	s3 =	rddreg [dreg:$0x2];
	[bflag:$0x3] =	sbarrier.arrive $0xFFFF;
	s2 =	simm.s32 @!p0 $0x1C03  }
0x33: {  	[timem:s3], [sflag:s2] =	dma.local @!p0 [hbm:s0], s1  }
0x34: {  	s0 =	simm.s32 @!p0 $0x3  }
0x35: {  	_ =	swait.ge @!p0 [sflag:s0], s1  }
0x36: {  	s1 =	ssub.s32 @!p0 $0x0, s1;
	[sflag:s0] =	ssyncset.done @!p0 $0x0  }
0x37: {  	[sflag:s0] =	ssyncadd.s32 @!p0 s1  }
0x38: {  	[bflag:$0x3] =	sbarrier.arrive $0xFFFF  }
0x39: {  	_ =	shalt  }

</sc_bundles>
